<compile_context>
chip_gen: v7x
topology: tpu7x:2x2x1
jax: 0.10.2.dev20260603
libtpu: 0.0.44.dev20260713+nightly
codegen_flags: <defaults>
</compile_context>

<pallas_src>
import functools

import jax
import jax.numpy as jnp
from jax import lax
from jax.experimental import pallas as pl
from jax.experimental.pallas import tpu as pltpu
from jax.experimental.pallas import tpu_sc as plsc

_H = 32
_C = 3
_S = 67


def _i32(x):
    return jnp.full((16,), x, jnp.int32)


@functools.cache
def _bias_fn():
    mesh = plsc.VectorSubcoreMesh(core_axis_name="c", subcore_axis_name="s")

    @functools.partial(
        pl.kernel,
        out_type=jax.ShapeDtypeStruct((_H, 72, 128), jnp.float32),
        mesh=mesh,
        scratch_types=[
            pltpu.VMEM((8, 128), jnp.float32),
            pltpu.VMEM((72, 128), jnp.float32),
            pltpu.SemaphoreType.DMA,
        ],
        compiler_params=pltpu.CompilerParams(
            needs_layout_passes=False,
            use_tc_tiling_on_sc=False,
            disable_bounds_checks=True,
            disable_semaphore_checks=True,
            skip_device_barrier=True,
        ),
    )
    def _bias(tab_hbm, out_hbm, tab_v, out_v, sem0):
        num_cores = lax.axis_size("c")
        h = lax.axis_index("s") * num_cores + lax.axis_index("c")
        cp_tab = pltpu.make_async_copy(tab_hbm.at[h], tab_v, sem0)
        cp_tab.start()

        lane = lax.iota(jnp.int32, 16)
        cp_tab.wait()

        def sq_group(t, carry):
            i = t >> 2
            j = lane + ((t & 3) << 4)
            dr = ((i >> 3) + 7) - (j >> 3)
            df = ((i & 7) + 7) - (j & 7)
            f = dr * 15 + df
            vals = plsc.load_gather(tab_v, [f >> 7, f & 127])
            plsc.store_scatter(out_v, [_i32(i + _C), j + _C], vals)
            return carry

        lax.fori_loop(0, 256, sq_group, 0)

        def cs_group(t, carry):
            r = t >> 2
            c = lane + ((t & 3) << 4)
            f = (c + 225) + (r << 6)
            vals = plsc.load_gather(tab_v, [f >> 7, f & 127])
            plsc.store_scatter(out_v, [_i32(r), c + _C], vals)
            return carry

        lax.fori_loop(0, 12, cs_group, 0)

        def sc_group(v, carry):
            s = lane + (v << 4)
            q = (s * 21846) >> 16
            c = s - q * 3
            f = s + 417
            vals = plsc.load_gather(tab_v, [f >> 7, f & 127])
            plsc.store_scatter(out_v, [q + _C, c], vals)
            return carry

        lax.fori_loop(0, 12, sc_group, 0)

        s = lane
        q = (s * 21846) >> 16
        c = s - q * 3
        m = s < 9
        f = s + 609
        vals = plsc.load_gather(tab_v, [f >> 7, f & 127], mask=m)
        plsc.store_scatter(out_v, [q, c], vals, mask=m)

        pltpu.sync_copy(out_v, out_hbm.at[h])

    return _bias


def kernel(rel_bias, context_sq_bias, sq_context_bias, context_context_bias):
    packed = jnp.concatenate(
        [
            rel_bias.reshape(_H, 225),
            context_sq_bias.reshape(_H, 192),
            sq_context_bias.reshape(_H, 192),
            context_context_bias.reshape(_H, 9),
        ],
        axis=1,
    )
    packed = jnp.pad(packed, ((0, 0), (0, 406))).reshape(_H, 8, 128)
    return _bias_fn()(packed)[:, :_S, :_S]

# --- scband reference (transcript-rebuilt; emitter-appended) ---
"""Pipeline reference for scband-chess-relative-position-bias-11519102288237 (READ-ONLY COPY).

The authoritative reference and input builder live on the scoring server;
editing this copy changes nothing except your own understanding.
"""

import jax, jax.numpy as jnp
import numpy as np

NUM_HEADS = 32
NUM_CONTEXT = 3


def setup_inputs(seed: int = 0) -> dict:
    key = jax.random.key(seed)
    k1, k2, k3, k4 = jax.random.split(key, 4)
    # Learned parameters (torch initializes to zeros; use small randn so the
    # gather pattern is exercised with nontrivial values).
    rel_bias = jax.random.normal(k1, (NUM_HEADS, 15, 15), dtype=jnp.float32) * 0.02
    context_sq_bias = jax.random.normal(k2, (NUM_HEADS, NUM_CONTEXT, 64), dtype=jnp.float32) * 0.02
    sq_context_bias = jax.random.normal(k3, (NUM_HEADS, 64, NUM_CONTEXT), dtype=jnp.float32) * 0.02
    context_context_bias = jax.random.normal(k4, (NUM_HEADS, NUM_CONTEXT, NUM_CONTEXT), dtype=jnp.float32) * 0.02
    return {
        "rel_bias": rel_bias,
        "context_sq_bias": context_sq_bias,
        "sq_context_bias": sq_context_bias,
        "context_context_bias": context_context_bias,
    }


def reference(rel_bias, context_sq_bias, sq_context_bias, context_context_bias):
    H = rel_bias.shape[0]
    C = context_sq_bias.shape[1]
    # Index buffers (constants, same as torch register_buffer)
    ranks = jnp.arange(64) // 8
    files = jnp.arange(64) % 8
    dr_idx = ranks[:, None] - ranks[None, :] + 7  # (64, 64)
    df_idx = files[:, None] - files[None, :] + 7  # (64, 64)
    # Gather: bias[h, i, j] = rel_bias[h, dr_idx[i,j], df_idx[i,j]]
    sq_bias = rel_bias[:, dr_idx, df_idx]  # (H, 64, 64)
    S = C + 64
    bias = jnp.zeros((H, S, S), dtype=rel_bias.dtype)
    bias = bias.at[:, C:, C:].set(sq_bias)
    bias = bias.at[:, :C, C:].set(context_sq_bias)
    bias = bias.at[:, C:, :C].set(sq_context_bias)
    bias = bias.at[:, :C, :C].set(context_context_bias)
    return bias

if __name__ == "__main__":
    import jax
    _d = setup_inputs()
    print(jax.jit(kernel)(*tuple(_d.values())))

</pallas_src>

<mosaic_0001>
#map = affine_map<(d0, d1) -> (0, 0, 0)>
module attributes {stable_mosaic.version = 14 : i64} {
  func.func @_bias(%arg0: i32, %arg1: i32, %arg2: memref<32x8x128xf32, #tpu.memory_space<hbm>>, %arg3: memref<32x72x128xf32, #tpu.memory_space<hbm>>, %arg4: memref<8x128xf32, #tpu.memory_space<vmem>>, %arg5: memref<72x128xf32, #tpu.memory_space<vmem>>, %arg6: memref<!tpu.dma_semaphore, #tpu.memory_space<semaphore_mem>>) attributes {dimension_semantics = [#tpu.dimension_semantics<core_parallel>, #tpu.dimension_semantics<subcore_parallel>], iteration_bounds = array<i64: 2, 16>, scalar_prefetch = 0 : i64, scratch_operands = 3 : i64, tpu.core_type = #tpu.core_type<sc_vector_subcore>, window_params = [{transform_indices = #map}, {transform_indices = #map}]} {
    %mul3A = arith.constant 2 : i32
    %mul3A_0 = arith.muli %arg1, %mul3A : i32
    %add3A = arith.addi %mul3A_0, %arg0 : i32
    %dma_start3A = arith.constant 0 : i32
    %dma_start3A_1 = arith.constant 0 : i32
    %dma_start3A_2 = tpu.memref_slice %arg2[%add3A, %dma_start3A, %dma_start3A_1] : memref<32x8x128xf32, #tpu.memory_space<hbm>> -> memref<1x8x128xf32, #tpu.memory_space<hbm>>
    %dma_start3A_3 = tpu.memref_squeeze %dma_start3A_2 : memref<1x8x128xf32, #tpu.memory_space<hbm>> -> memref<8x128xf32, #tpu.memory_space<hbm>>
    %dma_start3A_4 = arith.constant 0 : i32
    %dma_start3A_5 = arith.constant 0 : i32
    %dma_start3A_6 = tpu.memref_slice %arg2[%add3A, %dma_start3A_4, %dma_start3A_5] : memref<32x8x128xf32, #tpu.memory_space<hbm>> -> memref<1x8x128xf32, #tpu.memory_space<hbm>>
    %dma_start3A_7 = tpu.memref_squeeze %dma_start3A_6 : memref<1x8x128xf32, #tpu.memory_space<hbm>> -> memref<8x128xf32, #tpu.memory_space<hbm>>
    tpu.enqueue_dma source(%dma_start3A_7 : memref<8x128xf32, #tpu.memory_space<hbm>>) target(%arg4 : memref<8x128xf32, #tpu.memory_space<vmem>>) target_semaphore(%arg6 : memref<!tpu.dma_semaphore, #tpu.memory_space<semaphore_mem>>)
    %iota3A = tpu.iota {dimensions = array<i32: 0>} : vector<16xi32>
    %dma_wait3A = arith.constant 0 : i32
    %dma_wait3A_8 = arith.constant 0 : i32
    %dma_wait3A_9 = tpu.memref_slice %arg2[%add3A, %dma_wait3A, %dma_wait3A_8] : memref<32x8x128xf32, #tpu.memory_space<hbm>> -> memref<1x8x128xf32, #tpu.memory_space<hbm>>
    %dma_wait3A_10 = tpu.memref_squeeze %dma_wait3A_9 : memref<1x8x128xf32, #tpu.memory_space<hbm>> -> memref<8x128xf32, #tpu.memory_space<hbm>>
    %dma_wait3A_11 = arith.constant 0 : i32
    %dma_wait3A_12 = arith.constant 0 : i32
    %dma_wait3A_13 = tpu.memref_slice %arg2[%add3A, %dma_wait3A_11, %dma_wait3A_12] : memref<32x8x128xf32, #tpu.memory_space<hbm>> -> memref<1x8x128xf32, #tpu.memory_space<hbm>>
    %dma_wait3A_14 = tpu.memref_squeeze %dma_wait3A_13 : memref<1x8x128xf32, #tpu.memory_space<hbm>> -> memref<8x128xf32, #tpu.memory_space<hbm>>
    tpu.wait_dma2 semaphore(%arg6 : memref<!tpu.dma_semaphore, #tpu.memory_space<semaphore_mem>>) src(%dma_wait3A_14 : memref<8x128xf32, #tpu.memory_space<hbm>>) dst(%arg4 : memref<8x128xf32, #tpu.memory_space<vmem>>)
    %scan3A = arith.constant 0 : i32
    %scan3A_15 = arith.constant 0 : i32
    %scan3A_16 = arith.constant 256 : i32
    %scan3A_17 = arith.addi %scan3A_15, %scan3A_16 : i32
    %scan3A_18 = arith.constant 1 : i32
    scf.for %scan3A_50 = %scan3A_15 to %scan3A_17 step %scan3A_18  : i32 {
      %shift_right_arithmetic3A_51 = arith.constant 2 : i32
      %shift_right_arithmetic3A_52 = arith.shrsi %scan3A_50, %shift_right_arithmetic3A_51 : i32
      %and3A_53 = arith.constant 3 : i32
      %and3A_54 = arith.andi %scan3A_50, %and3A_53 : i32
      %shift_left3A = arith.constant 4 : i32
      %shift_left3A_55 = arith.shli %and3A_54, %shift_left3A : i32
      %add3A_56 = vector.broadcast %shift_left3A_55 : i32 to vector<16xi32>
      %add3A_57 = arith.addi %iota3A, %add3A_56 : vector<16xi32>
      %shift_right_arithmetic3A_58 = arith.constant 3 : i32
      %shift_right_arithmetic3A_59 = arith.shrsi %shift_right_arithmetic3A_52, %shift_right_arithmetic3A_58 : i32
      %add3A_60 = arith.constant 7 : i32
      %add3A_61 = arith.addi %shift_right_arithmetic3A_59, %add3A_60 : i32
      %shift_right_arithmetic3A_62 = arith.constant 3 : i32
      %shift_right_arithmetic3A_63 = vector.broadcast %shift_right_arithmetic3A_62 : i32 to vector<16xi32>
      %shift_right_arithmetic3A_64 = arith.shrsi %add3A_57, %shift_right_arithmetic3A_63 : vector<16xi32>
      %sub3A_65 = vector.broadcast %add3A_61 : i32 to vector<16xi32>
      %sub3A_66 = arith.subi %sub3A_65, %shift_right_arithmetic3A_64 : vector<16xi32>
      %and3A_67 = arith.constant 7 : i32
      %and3A_68 = arith.andi %shift_right_arithmetic3A_52, %and3A_67 : i32
      %add3A_69 = arith.constant 7 : i32
      %add3A_70 = arith.addi %and3A_68, %add3A_69 : i32
      %and3A_71 = arith.constant 7 : i32
      %and3A_72 = vector.broadcast %and3A_71 : i32 to vector<16xi32>
      %and3A_73 = arith.andi %add3A_57, %and3A_72 : vector<16xi32>
      %sub3A_74 = vector.broadcast %add3A_70 : i32 to vector<16xi32>
      %sub3A_75 = arith.subi %sub3A_74, %and3A_73 : vector<16xi32>
      %mul3A_76 = arith.constant 15 : i32
      %mul3A_77 = vector.broadcast %mul3A_76 : i32 to vector<16xi32>
      %mul3A_78 = arith.muli %sub3A_66, %mul3A_77 : vector<16xi32>
      %add3A_79 = arith.addi %mul3A_78, %sub3A_75 : vector<16xi32>
      %shift_right_arithmetic3A_80 = arith.constant 7 : i32
      %shift_right_arithmetic3A_81 = vector.broadcast %shift_right_arithmetic3A_80 : i32 to vector<16xi32>
      %shift_right_arithmetic3A_82 = arith.shrsi %add3A_79, %shift_right_arithmetic3A_81 : vector<16xi32>
      %and3A_83 = arith.constant 127 : i32
      %and3A_84 = vector.broadcast %and3A_83 : i32 to vector<16xi32>
      %and3A_85 = arith.andi %add3A_79, %and3A_84 : vector<16xi32>
      %gather3A_86 = tpu.vector_load_idx %arg4[%shift_right_arithmetic3A_82, %and3A_85] : memref<8x128xf32, #tpu.memory_space<vmem>>[vector<16xi32>, vector<16xi32>], vector<16xf32>,
      %add3A_87 = arith.constant 3 : i32
      %add3A_88 = arith.addi %shift_right_arithmetic3A_52, %add3A_87 : i32
      %broadcast_in_dim3A = vector.broadcast %add3A_88 : i32 to vector<16xi32>
      %add3A_89 = arith.constant 3 : i32
      %add3A_90 = vector.broadcast %add3A_89 : i32 to vector<16xi32>
      %add3A_91 = arith.addi %add3A_57, %add3A_90 : vector<16xi32>
      tpu.vector_store_idx %arg5[%broadcast_in_dim3A, %add3A_91], %gather3A_86 : memref<72x128xf32, #tpu.memory_space<vmem>>[vector<16xi32>, vector<16xi32>], vector<16xf32>,
    }
    %scan3A_19 = arith.constant 256 : i32
    %scan3A_20 = arith.constant 0 : i32
    %scan3A_21 = arith.constant 0 : i32
    %scan3A_22 = arith.constant 12 : i32
    %scan3A_23 = arith.addi %scan3A_21, %scan3A_22 : i32
    %scan3A_24 = arith.constant 1 : i32
    scf.for %scan3A_50 = %scan3A_21 to %scan3A_23 step %scan3A_24  : i32 {
      %shift_right_arithmetic3A_51 = arith.constant 2 : i32
      %shift_right_arithmetic3A_52 = arith.shrsi %scan3A_50, %shift_right_arithmetic3A_51 : i32
      %and3A_53 = arith.constant 3 : i32
      %and3A_54 = arith.andi %scan3A_50, %and3A_53 : i32
      %shift_left3A = arith.constant 4 : i32
      %shift_left3A_55 = arith.shli %and3A_54, %shift_left3A : i32
      %add3A_56 = vector.broadcast %shift_left3A_55 : i32 to vector<16xi32>
      %add3A_57 = arith.addi %iota3A, %add3A_56 : vector<16xi32>
      %add3A_58 = arith.constant 225 : i32
      %add3A_59 = vector.broadcast %add3A_58 : i32 to vector<16xi32>
      %add3A_60 = arith.addi %add3A_57, %add3A_59 : vector<16xi32>
      %shift_left3A_61 = arith.constant 6 : i32
      %shift_left3A_62 = arith.shli %shift_right_arithmetic3A_52, %shift_left3A_61 : i32
      %add3A_63 = vector.broadcast %shift_left3A_62 : i32 to vector<16xi32>
      %add3A_64 = arith.addi %add3A_60, %add3A_63 : vector<16xi32>
      %shift_right_arithmetic3A_65 = arith.constant 7 : i32
      %shift_right_arithmetic3A_66 = vector.broadcast %shift_right_arithmetic3A_65 : i32 to vector<16xi32>
      %shift_right_arithmetic3A_67 = arith.shrsi %add3A_64, %shift_right_arithmetic3A_66 : vector<16xi32>
      %and3A_68 = arith.constant 127 : i32
      %and3A_69 = vector.broadcast %and3A_68 : i32 to vector<16xi32>
      %and3A_70 = arith.andi %add3A_64, %and3A_69 : vector<16xi32>
      %gather3A_71 = tpu.vector_load_idx %arg4[%shift_right_arithmetic3A_67, %and3A_70] : memref<8x128xf32, #tpu.memory_space<vmem>>[vector<16xi32>, vector<16xi32>], vector<16xf32>,
      %broadcast_in_dim3A = vector.broadcast %shift_right_arithmetic3A_52 : i32 to vector<16xi32>
      %add3A_72 = arith.constant 3 : i32
      %add3A_73 = vector.broadcast %add3A_72 : i32 to vector<16xi32>
      %add3A_74 = arith.addi %add3A_57, %add3A_73 : vector<16xi32>
      tpu.vector_store_idx %arg5[%broadcast_in_dim3A, %add3A_74], %gather3A_71 : memref<72x128xf32, #tpu.memory_space<vmem>>[vector<16xi32>, vector<16xi32>], vector<16xf32>,
    }
    %scan3A_25 = arith.constant 12 : i32
    %scan3A_26 = arith.constant 0 : i32
    %scan3A_27 = arith.constant 0 : i32
    %scan3A_28 = arith.constant 12 : i32
    %scan3A_29 = arith.addi %scan3A_27, %scan3A_28 : i32
    %scan3A_30 = arith.constant 1 : i32
    scf.for %scan3A_50 = %scan3A_27 to %scan3A_29 step %scan3A_30  : i32 {
      %shift_left3A = arith.constant 4 : i32
      %shift_left3A_51 = arith.shli %scan3A_50, %shift_left3A : i32
      %add3A_52 = vector.broadcast %shift_left3A_51 : i32 to vector<16xi32>
      %add3A_53 = arith.addi %iota3A, %add3A_52 : vector<16xi32>
      %mul3A_54 = arith.constant 21846 : i32
      %mul3A_55 = vector.broadcast %mul3A_54 : i32 to vector<16xi32>
      %mul3A_56 = arith.muli %add3A_53, %mul3A_55 : vector<16xi32>
      %shift_right_arithmetic3A_57 = arith.constant 16 : i32
      %shift_right_arithmetic3A_58 = vector.broadcast %shift_right_arithmetic3A_57 : i32 to vector<16xi32>
      %shift_right_arithmetic3A_59 = arith.shrsi %mul3A_56, %shift_right_arithmetic3A_58 : vector<16xi32>
      %mul3A_60 = arith.constant 3 : i32
      %mul3A_61 = vector.broadcast %mul3A_60 : i32 to vector<16xi32>
      %mul3A_62 = arith.muli %shift_right_arithmetic3A_59, %mul3A_61 : vector<16xi32>
      %sub3A_63 = arith.subi %add3A_53, %mul3A_62 : vector<16xi32>
      %add3A_64 = arith.constant 417 : i32
      %add3A_65 = vector.broadcast %add3A_64 : i32 to vector<16xi32>
      %add3A_66 = arith.addi %add3A_53, %add3A_65 : vector<16xi32>
      %shift_right_arithmetic3A_67 = arith.constant 7 : i32
      %shift_right_arithmetic3A_68 = vector.broadcast %shift_right_arithmetic3A_67 : i32 to vector<16xi32>
      %shift_right_arithmetic3A_69 = arith.shrsi %add3A_66, %shift_right_arithmetic3A_68 : vector<16xi32>
      %and3A_70 = arith.constant 127 : i32
      %and3A_71 = vector.broadcast %and3A_70 : i32 to vector<16xi32>
      %and3A_72 = arith.andi %add3A_66, %and3A_71 : vector<16xi32>
      %gather3A_73 = tpu.vector_load_idx %arg4[%shift_right_arithmetic3A_69, %and3A_72] : memref<8x128xf32, #tpu.memory_space<vmem>>[vector<16xi32>, vector<16xi32>], vector<16xf32>,
      %add3A_74 = arith.constant 3 : i32
      %add3A_75 = vector.broadcast %add3A_74 : i32 to vector<16xi32>
      %add3A_76 = arith.addi %shift_right_arithmetic3A_59, %add3A_75 : vector<16xi32>
      tpu.vector_store_idx %arg5[%add3A_76, %sub3A_63], %gather3A_73 : memref<72x128xf32, #tpu.memory_space<vmem>>[vector<16xi32>, vector<16xi32>], vector<16xf32>,
    }
    %scan3A_31 = arith.constant 12 : i32
    %mul3A_32 = arith.constant 21846 : i32
    %mul3A_33 = vector.broadcast %mul3A_32 : i32 to vector<16xi32>
    %mul3A_34 = arith.muli %iota3A, %mul3A_33 : vector<16xi32>
    %shift_right_arithmetic3A = arith.constant 16 : i32
    %shift_right_arithmetic3A_35 = vector.broadcast %shift_right_arithmetic3A : i32 to vector<16xi32>
    %shift_right_arithmetic3A_36 = arith.shrsi %mul3A_34, %shift_right_arithmetic3A_35 : vector<16xi32>
    %mul3A_37 = arith.constant 3 : i32
    %mul3A_38 = vector.broadcast %mul3A_37 : i32 to vector<16xi32>
    %mul3A_39 = arith.muli %shift_right_arithmetic3A_36, %mul3A_38 : vector<16xi32>
    %sub3A = arith.subi %iota3A, %mul3A_39 : vector<16xi32>
    %lt3A = arith.constant 9 : i32
    %lt3A_40 = vector.broadcast %lt3A : i32 to vector<16xi32>
    %lt3A_41 = arith.cmpi slt, %iota3A, %lt3A_40 : vector<16xi32>
    %add3A_42 = arith.constant 609 : i32
    %add3A_43 = vector.broadcast %add3A_42 : i32 to vector<16xi32>
    %add3A_44 = arith.addi %iota3A, %add3A_43 : vector<16xi32>
    %shift_right_arithmetic3A_45 = arith.constant 7 : i32
    %shift_right_arithmetic3A_46 = vector.broadcast %shift_right_arithmetic3A_45 : i32 to vector<16xi32>
    %shift_right_arithmetic3A_47 = arith.shrsi %add3A_44, %shift_right_arithmetic3A_46 : vector<16xi32>
    %and3A = arith.constant 127 : i32
    %and3A_48 = vector.broadcast %and3A : i32 to vector<16xi32>
    %and3A_49 = arith.andi %add3A_44, %and3A_48 : vector<16xi32>
    %gather3A = tpu.vector_load_idx %arg4[%shift_right_arithmetic3A_47, %and3A_49] masked %lt3A_41 : memref<8x128xf32, #tpu.memory_space<vmem>>[vector<16xi32>, vector<16xi32>], vector<16xf32>, vector<16xi1>
    tpu.vector_store_idx %arg5[%shift_right_arithmetic3A_36, %sub3A], %gather3A masked %lt3A_41 : memref<72x128xf32, #tpu.memory_space<vmem>>[vector<16xi32>, vector<16xi32>], vector<16xf32>, vector<16xi1>
    "tpu.region"() ({
      %run_scoped3A = tpu.sem_alloc : memref<!tpu.dma_semaphore, #tpu.memory_space<semaphore_mem>>
      %dma_start3A_50 = arith.constant 0 : i32
      %dma_start3A_51 = arith.constant 0 : i32
      %dma_start3A_52 = tpu.memref_slice %arg3[%add3A, %dma_start3A_50, %dma_start3A_51] : memref<32x72x128xf32, #tpu.memory_space<hbm>> -> memref<1x72x128xf32, #tpu.memory_space<hbm>>
      %dma_start3A_53 = tpu.memref_squeeze %dma_start3A_52 : memref<1x72x128xf32, #tpu.memory_space<hbm>> -> memref<72x128xf32, #tpu.memory_space<hbm>>
      %dma_start3A_54 = arith.constant 0 : i32
      %dma_start3A_55 = arith.constant 0 : i32
      %dma_start3A_56 = tpu.memref_slice %arg3[%add3A, %dma_start3A_54, %dma_start3A_55] : memref<32x72x128xf32, #tpu.memory_space<hbm>> -> memref<1x72x128xf32, #tpu.memory_space<hbm>>
      %dma_start3A_57 = tpu.memref_squeeze %dma_start3A_56 : memref<1x72x128xf32, #tpu.memory_space<hbm>> -> memref<72x128xf32, #tpu.memory_space<hbm>>
      tpu.enqueue_dma source(%arg5 : memref<72x128xf32, #tpu.memory_space<vmem>>) target(%dma_start3A_57 : memref<72x128xf32, #tpu.memory_space<hbm>>) target_semaphore(%run_scoped3A : memref<!tpu.dma_semaphore, #tpu.memory_space<semaphore_mem>>)
      %dma_wait3A_58 = arith.constant 0 : i32
      %dma_wait3A_59 = arith.constant 0 : i32
      %dma_wait3A_60 = tpu.memref_slice %arg3[%add3A, %dma_wait3A_58, %dma_wait3A_59] : memref<32x72x128xf32, #tpu.memory_space<hbm>> -> memref<1x72x128xf32, #tpu.memory_space<hbm>>
      %dma_wait3A_61 = tpu.memref_squeeze %dma_wait3A_60 : memref<1x72x128xf32, #tpu.memory_space<hbm>> -> memref<72x128xf32, #tpu.memory_space<hbm>>
      %dma_wait3A_62 = arith.constant 0 : i32
      %dma_wait3A_63 = arith.constant 0 : i32
      %dma_wait3A_64 = tpu.memref_slice %arg3[%add3A, %dma_wait3A_62, %dma_wait3A_63] : memref<32x72x128xf32, #tpu.memory_space<hbm>> -> memref<1x72x128xf32, #tpu.memory_space<hbm>>
      %dma_wait3A_65 = tpu.memref_squeeze %dma_wait3A_64 : memref<1x72x128xf32, #tpu.memory_space<hbm>> -> memref<72x128xf32, #tpu.memory_space<hbm>>
      tpu.wait_dma2 semaphore(%run_scoped3A : memref<!tpu.dma_semaphore, #tpu.memory_space<semaphore_mem>>) src(%arg5 : memref<72x128xf32, #tpu.memory_space<vmem>>) dst(%dma_wait3A_65 : memref<72x128xf32, #tpu.memory_space<hbm>>)
      tpu.yield
    }) : () -> ()
    return
  }
}

</mosaic_0001>

<sc_bundles>
// kernel: kernel.3.cloned.1.call-start
scs
__scs_entry_jumppad:
0x0: {  	(pc) =	sbr.rel $0x88, $3  }
0x1: {  	(tag) =	ssettag $0x0;
	lr =	simm.s32 $0x1  }
0x2: {  	[smem:$0x3F9D] =	sst lr;
	_ =	strace $0xD0000000  }
0x3: {  	_ = 	snop  }
0x4: {  	_ = 	snop  }
0x5: {  	_ = 	snop  }
0x6: {  	_ = 	snop  }
0x7: {  	_ = 	snop  }
__scs_overlays_trampoline_lowered:
0x8: {  	[smem:$0x3FAC] =	sst s0  }
0x9: {  	[smem:$0x3FAD] =	sst s1  }
0xa: {  	[smem:$0x3FAE] =	sst s2  }
0xb: {  	[smem:$0x3FAF] =	sst s3  }
0xc: {  	[smem:$0x3FB0] =	sst s4  }
0xd: {  	[smem:$0x3FB1] =	sst s5  }
0xe: {  	[smem:$0x3FB2] =	sst s6  }
0xf: {  	[smem:$0x3FB3] =	sst s7  }
0x10: {  	[smem:$0x3FB4] =	sst s8  }
0x11: {  	[smem:$0x3FB5] =	sst s9;
	s0 =	simm.s32 @!p0 $0x0  }
0x12: {  	s1 =	sld [smem:$0x3F9B];
	s0 =	simm.s32 @p0 $0x1  }
0x13: {  	[smem:$0x3FB6] =	sst s0;
	s0 =	simm.s32 @!p1 $0x0  }
0x14: {  	s2 =	sld [smem:$0x3F9A];
	s0 =	simm.s32 @p1 $0x1  }
0x15: {  	[smem:$0x3FB7] =	sst s0;
	s0 =	simm.s32 @!p2 $0x0  }
0x16: {  	s3 =	sld [smem:$0x3FDB];
	s0 =	simm.s32 @p2 $0x1  }
0x17: {  	s4 =	simm.s32 $0x1BF5;
	[smem:$0x3FB9] =	sst s0  }
0x18: {  	s0 =	sld [smem:$0x3F9C];
	_ =	swait.ge [sflag:s4], $0x0  }
0x19: {  	s7 =	sld [smem:$0x3F9D]  }
0x1a: {  	s8 =	sadd.s32 $0xFFFFE003, lr  }
0x1b: {  	s9 =	sadd.s32 $0xFFFFFEF7, lr;
	s5 =	simm.s32 $0xFFFFFFFF;
	p2 =	slt.u32 s8, $0xFFFFF086  }
0x1c: {  	p1 =	slt.u32 s9, $0xF7A;
	s5 =	simm.s32 @!p2 $0x0  }
0x1d: {  	s5 =	simm.s32 @p1 $0x1;
	p0 =	seq.s32 s7, s2  }
0x1e: {  	s7 =	smul.u32 @!p0 $0xF7A, s2;
	p2 =	seq.s32 @!p0 s5, $0x0  }
0x1f: {  	s9 =	smul.u32 $0xF7A, s1;
	s8 =	simm.s32 @!p0 $0x1BF5;
	p2 =	por !p2, p0  }
0x20: {  	[sflag:s8] =	ssyncset.s32 @!p0 $0xFFFFF086;
	s6 =	sadd.s32 @!p0 s3, s7;
	s7 =	simm.s32 @!p0 $0x108  }
0x21: {  	s3 =	sadd.s32 s3, s9;
	s6 =	sadd.s32 @!p0 $0x88, s6;
	s7 =	simm.s32 @p2 $0x1082  }
0x22: {  	[simem:s7], [sflag:s8] =	dma.local @!p0 [hbm:s6], $0xF7A  }
0x23: {  	s9 =	sor.u32 $0xD0000000, s2;
	s6 =	simm.s32 $0x108;
	_ =	swait.ge @!p0 [sflag:s8], $0x0  }
0x24: {  	s3 =	sadd.s32 $0x88, s3;
	s6 =	simm.s32 @!p1 $0x1082;
	[sflag:s4] =	ssyncset.s32 $0xFFFFF086  }
0x25: {  	[simem:s6], [sflag:s4] =	dma.local [hbm:s3], $0xF7A  }
0x26: {  	[smem:$0x3F9D] =	sst s1;
	(tag) =	ssettag s2;
	_ =	strace s9  }
0x27: {  	s1 =	sld [smem:$0x3FAD]  }
0x28: {  	s2 =	sld [smem:$0x3FAE]  }
0x29: {  	s4 =	sld [smem:$0x3FB0]  }
0x2a: {  	p0 =	seq.s32 s5, $0x0;
	s5 =	sld [smem:$0x3FB1]  }
0x2b: {  	s6 =	sld [smem:$0x3FB2]  }
0x2c: {  	s7 =	sld [smem:$0x3FB3]  }
0x2d: {  	s3 =	simm.s32 $0x108;
	s8 =	sld [smem:$0x3FB4]  }
0x2e: {  	s3 =	simm.s32 @!p0 $0x1082;
	s9 =	sld [smem:$0x3FB5]  }
0x2f: {  	lr =	sadd.s32 s0, s3;
	s0 =	sld [smem:$0x3FAC]  }
0x30: {  	s3 =	sld [smem:$0x3FAF]  }
0x31: {  	[smem:$0x3FB8] =	sst s10  }
0x32: {  	s10 =	sld [smem:$0x3FB6];
	_ =	sdelay $0x3  }
0x33: {  	p0 =	seq.s32 s10, $0x1;
	s10 =	sld [smem:$0x3FB8];
	_ =	sdelay $0x3  }
0x34: {  	[smem:$0x3FB8] =	sst s10  }
0x35: {  	s10 =	sld [smem:$0x3FB7];
	_ =	sdelay $0x3  }
0x36: {  	p1 =	seq.s32 s10, $0x1;
	s10 =	sld [smem:$0x3FB8];
	_ =	sdelay $0x3  }
0x37: {  	[smem:$0x3FB8] =	sst s10  }
0x38: {  	s10 =	sld [smem:$0x3FB9]  }
0x39: {  	_ = 	snop;
	(pc) =	sbr.ind lr, $3  }
0x3a: {  	_ = 	snop  }
0x3b: {  	_ = 	snop  }
0x3c: {  	p2 =	seq.s32 s10, $0x1;
	s10 =	sld [smem:$0x3FB8]  }
0x3d: {  	_ =	shalt  }
0x3e: {  	_ =	shalt  }
0x3f: {  	_ =	shalt  }
0x40: {  	_ =	shalt  }
0x41: {  	_ =	shalt  }
0x42: {  	_ =	shalt  }
0x43: {  	_ =	shalt  }
0x44: {  	_ =	shalt  }
0x45: {  	_ =	shalt  }
0x46: {  	_ =	shalt  }
0x47: {  	_ =	shalt  }
0x48: {  	_ =	shalt  }
0x49: {  	_ =	shalt  }
0x4a: {  	_ =	shalt  }
0x4b: {  	_ =	shalt  }
0x4c: {  	_ =	shalt  }
0x4d: {  	_ =	shalt  }
0x4e: {  	_ =	shalt  }
0x4f: {  	_ =	shalt  }
0x50: {  	_ =	shalt  }
0x51: {  	_ =	shalt  }
0x52: {  	_ =	shalt  }
0x53: {  	_ =	shalt  }
0x54: {  	_ =	shalt  }
0x55: {  	_ =	shalt  }
0x56: {  	_ =	shalt  }
0x57: {  	_ =	shalt  }
0x58: {  	_ =	shalt  }
0x59: {  	_ =	shalt  }
0x5a: {  	_ =	shalt  }
0x5b: {  	_ =	shalt  }
0x5c: {  	_ =	shalt  }
0x5d: {  	_ =	shalt  }
0x5e: {  	_ =	shalt  }
0x5f: {  	_ =	shalt  }
0x60: {  	_ =	shalt  }
0x61: {  	_ =	shalt  }
0x62: {  	_ =	shalt  }
0x63: {  	_ =	shalt  }
0x64: {  	_ =	shalt  }
0x65: {  	_ =	shalt  }
0x66: {  	_ =	shalt  }
0x67: {  	_ =	shalt  }
0x68: {  	_ =	shalt  }
0x69: {  	_ =	shalt  }
0x6a: {  	_ =	shalt  }
0x6b: {  	_ =	shalt  }
0x6c: {  	_ =	shalt  }
0x6d: {  	_ =	shalt  }
0x6e: {  	_ =	shalt  }
0x6f: {  	_ =	shalt  }
0x70: {  	_ =	shalt  }
0x71: {  	_ =	shalt  }
0x72: {  	_ =	shalt  }
0x73: {  	_ =	shalt  }
0x74: {  	_ =	shalt  }
0x75: {  	_ =	shalt  }
0x76: {  	_ =	shalt  }
0x77: {  	_ =	shalt  }
0x78: {  	_ =	shalt  }
0x79: {  	_ =	shalt  }
0x7a: {  	_ =	shalt  }
0x7b: {  	_ =	shalt  }
0x7c: {  	_ =	shalt  }
0x7d: {  	_ =	shalt  }
0x7e: {  	_ =	shalt  }
0x7f: {  	_ =	shalt  }
0x80: {  	_ =	shalt  }
0x81: {  	_ =	shalt  }
0x82: {  	_ =	shalt  }
0x83: {  	_ =	shalt  }
0x84: {  	_ =	shalt  }
0x85: {  	_ =	shalt  }
0x86: {  	_ =	shalt  }
0x87: {  	_ =	shalt  }
.Lfunc_end0:
.L_simem_size_0:
called_computation_lowered:
.L_overlay_start_0:
0x88: {  	s2 =	sld [smem:$0x3FD9]  }
0x89: {  	s3 =	sld [smem:$0x3FFE];
	_ =	sdelay $0x1  }
0x8a: {  	s1 =	srdreg.scid  }
0x8b: {  	s0 =	sand.u32 $0x1, s1  }
0x8c: {  	s17 =	sshll.u32 s0, $0xA;
	s2 =	sadd.s32 s3, s2  }
0x8d: {  	s2 =	sadd.s32 s2, s17  }
0x8e: {  	[smem:$0x3FC4] =	sst s2  }
0x8f: {  	_ = 	snop  }
0x90: {  	s2 =	sld [smem:$0x3FD0];
	(tm) =	ssettm $0x1  }
0x91: {  	s18 =	sld [smem:$0x3FFB];
	_ =	sdelay $0x3  }
0x92: {  	_ =	strace s18  }
0x93: {  	s3 =	sld [smem:$0x3FFC];
	_ =	sdelay $0x3  }
0x94: {  	_ =	strace s3  }
0x95: {  	s3 =	sld [smem:$0x3FFD];
	_ =	sdelay $0x3  }
0x96: {  	_ =	strace s3  }
0x97: {  	_ =	strace $0x8FFFFFFF  }
0x98: {  	s19 =	sld [smem:$0x3FDB];
	_ =	sdelay $0x1  }
0x99: {  	s4 =	simm.s32 $_scs_section_size  }
0x9a: {  	s5 =	simm.s32 $_size__tile_overlayer_lowered;
	s6 =	simm.s32 $_tile_overlayer_lowered  }
0x9b: {  	s22 =	simm.s32 $0x1BFF;
	s21 =	sshll.u32 s6, $0x1;
	s3 =	sadd.s32 s4, s19  }
0x9c: {  	s7 =	simm.s32 $0x0;
	s20 =	sshll.u32 s5, $0x1;
	s5 =	sadd.s32 s21, s3  }
0x9d: {  	[timem:s7], [sflag:s22] =	dma.local [hbm:s5], s20  }
0x9e: {  	_ =	swait.ge [sflag:s22], s20  }
0x9f: {  	s4 =	ssub.s32 $0x0, s20;
	[sflag:s22] =	ssyncset.done $0x0  }
0xa0: {  	[sflag:s22] =	ssyncadd.s32 s4;
	_ =	sdelay $0x1  }
0xa1: {  	s23 =	simm.s32 $0x1B8B  }
0xa2: {  	_ =	swait.ge [sflag:s23], $0x1  }
0xa3: {  	[sflag:s23] =	ssyncset.done $0x0  }
0xa4: {  	s25 =	simm.s32 $0x1B8E;
	s24 =	sld [smem:$0x3FFE];
	[sflag:s23] =	ssyncadd.s32 $0xFFFFFFFF  }
0xa5: {  	s26 =	simm.s32 $execute0_lowered;
	[smem:$0x3FD2] =	sst s25  }
0xa6: {  	s5 =	sshll.u32 s26, $0x1;
	_ =	strace $0x80000046;
	[dreg:$0x1] =	wrdreg $0xFFFFFFFF  }
0xa7: {  	s28 =	simm.s32 $_size_execute0_lowered;
	s3 =	sadd.s32 s3, s5;
	[dreg:$0x0] =	wrdreg $0x0  }
0xa8: {  	s5 =	sshll.u32 s28, $0x1;
	[dreg:$0x2] =	wrdreg s3  }
0xa9: {  	[dreg:$0x3] =	wrdreg s5  }
0xaa: {  	[dreg:$0x4] =	wrdreg $0xC0  }
0xab: {  	_ =	task [dreg:s7], $0x5FFFF  }
0xac: {  	[dreg:$0x1] =	wrdreg $0xFFFFFFFF  }
0xad: {  	[dreg:$0x0] =	wrdreg $0x60  }
0xae: {  	[dreg:$0x2] =	wrdreg s2  }
0xaf: {  	[dreg:$0x3] =	wrdreg s24  }
0xb0: {  	[dreg:$0x4] =	wrdreg $0x9  }
0xb1: {  	_ =	task.clear_ibuf [dreg:s7], $0x5FFFF;
	_ =	strace $0x90000046  }
0xb2: {  	s29 =	simm.s32 $0x9;
	_ =	strace $0x80000048  }
0xb3: {  	_ =	swait.ge [sflag:s29], $0x1  }
0xb4: {  	[sflag:s29] =	ssyncadd.s32 $0xFFFFFFFF  }
0xb5: {  	_ =	strace $0x90000048  }
0xb6: {  	_ =	sfence  }
0xb7: {  	s30 =	sld [smem:$0x0];
	_ =	sdelay $0x2  }
0xb8: {  	s31 =	sshll.u32 s1, $0xD;
	s1 =	sshrl.u32 s1, $0x2  }
0xb9: {  	s3 =	sand.u32 $0x4000, s31;
	s1 =	sadd.s32 s1, s30  }
0xba: {  	s0 =	sor.u32 s3, s0;
	s1 =	sshll.u32 s1, $0x11  }
0xbb: {  	s0 =	sor.u32 s1, s0  }
0xbc: {  	s0 =	sadd.s32 $0x8F2B, s0  }
0xbd: {  	[sflag:s0] =	ssyncadd.remote.s32 $0x1  }
0xbe: {  	_ =	sfence.sel $0xFFFF  }
0xbf: {  	[dreg:$0x0] =	wrdreg $0xFFFFFFFF;
	(pc) =	sbr.abs _section_cstart, $3  }
0xc0: {  	[dreg:$0x1] =	wrdreg $0xFFFFFFFF  }
0xc1: {  	_ =	task.clear_ibuf [dreg:s7], $0x2FFFF;
	_ =	strace $0x9FFFFFFF  }
0xc2: {  	(tm) =	ssettm $0x7FFFFFFF  }
0xc3: {  	_ =	shalt  }
tec
execute0_lowered:
.L_overlay_start_1:
0x0: {  	(tag) =	ssettag $0x1  }
0x1: {  	v0 =	vimm.s32 $0x80020100  }
0x2: {  	v0 =	vunpack.c.0.s8.s32 v0;
	_ =	sdelay $0x1  }
0x3: {  	vm0 =	vcmask $0xF00;
	v1 =	vand.u32 $0xFF, v0  }
0x4: {  	vm5 =	vcmask $0x1310;
	v0 =	vlaneseq.u32;
	v1 =	vnsel vm0, $0x280, v1  }
0x5: {  	vm6 =	vcmask $0x1714;
	v2 =	vand.u32 $0x7, v0;
	v3 =	vsel vm5, $0x81, v1  }
0x6: {  	vm7 =	vcmask $0x1B18;
	v1 =	vmul.u32 $0xFFFFFFFF, v2;
	v2 =	vsel vm6, $0x82, v3  }
0x7: {  	s3 =	rddreg [dreg:$0x0];
	vm8 =	vcmask $0x1F1C;
	vm9 =	vcmask $0x2320;
	v2 =	vsel vm7, $0x100, v2  }
0x8: {  	s1 =	srdreg.scid;
	s0 =	stileid.u32;
	vm10 =	vcmask $0x2724;
	vm11 =	vcmask $0x2B28;
	v4 =	vsel vm8, $0x101, v2  }
0x9: {  	s4 =	rddreg [dreg:$0x1];
	s2 =	simm.s32 $0x0;
	v5 =	vimm.s32 $0x7654321;
	vm12 =	vcmask $0x2F2C;
	s9 =	simm.s32 $0x0;
	v4 =	vsel vm9, $0x102, v4  }
0xa: {  	vm13 =	vcmask $0x3330;
	vm14 =	vcmask $0x3734;
	s5 =	sand.u32 $0x1, s1;
	s6 =	sshll.u32 s0, $0x1;
	s1 =	rddreg [dreg:$0x2];
	v4 =	vsel vm10, $0x180, v4  }
0xb: {  	[smem:$0x7FF] =	sst s2;
	v5 =	vunpack.c.l.s4.s8 v5;
	s6 =	sor.u32 s5, s6;
	s5 =	ssub.s32 $0x2, s5;
	v3 =	vimm.s32 $0x21076543;
	v4 =	vsel vm11, $0x181, v4  }
0xc: {  	vm15 =	vcmask $0x3B38;
	s7 =	smul.u32 $0x480, s6;
	s8 =	sshrl.u32 s5, $0x1;
	s6 =	sshll.u32 s6, $0x7;
	v3 =	vunpack.c.l.s4.s8 v3;
	v6 =	vsel vm12, $0x182, v4  }
0xd: {  	_ =	strace $0x80000047;
	v5 =	vunpack.c.0.s8.s32 v5;
	s5 =	ssub.s32 s5, s8;
	s3 =	sadd.s32 s3, s6;
	v7 =	vadd.s32 $0x261, v0;
	v6 =	vsel vm13, $0x200, v6  }
0xe: {  	s6 =	simm.s32 $0x1;
	s8 =	simm.s32 $0x2;
	s4 =	sadd.s32 s7, s4;
	v2 =	vadd.s32 $0x3, v0;
	v3 =	vunpack.c.0.s8.s32 v3;
	v8 =	vsel vm14, $0x201, v6  }
0xf: {  	s5 =	smax.u32 s5, $0x1;
	s7 =	simm.s32 $0x400;
	s4 =	sadd.s32 $0x400, s4;
	v4 =	vadd.s32 $0xE1, v0;
	v6 =	vadd.s32 $0x1A1, v0;
	v8 =	vsel vm15, $0x202, v8  }
.LBB2_1:
0x10: {  	s10 =	sand.u32 $0x30, s2  }
0x11: {  	v9 =	vor.u32 s10, v0  }
0x12: {  	s11 =	simm.s32 $0x7;
	v9 =	vshrl.u32 v9, $0x3  }
0x13: {  	s12 =	simm.s32 $0x0;
	v9 =	vsub.s32 s11, v9  }
0x14: {  	s28 =	sand.u32 $0x7, s12;
	v9 =	vmul.u32 $0xF, v9  }
0x15: {  	s29 =	simm.s32 $0x10;
	s11 =	sadd.s32 $0x7, s28  }
0x16: {  	s12 =	sand.u32 $0x30, s29;
	v9 =	vadd.s32 s11, v9  }
0x17: {  	[tilespmem:s2], [sflag:$0x1] =	stream.linear.gather [hbm4b:s3+s2], $0x400, $0x38;
	v10 =	vor.u32 s12, v0;
	v9 =	vadd.s32 v1, v9;
	[tilespmem:$0x2800] =	vst v63  }
0x18: {  	s13 =	simm.s32 $0x7;
	v10 =	vshrl.u32 v10, $0x3  }
0x19: {  	_ =	swait.ge [sflag:s6], $0x400;
	v11 =	vadd.s32 s10, v2;
	v10 =	vsub.s32 s13, v10;
	s11 =	simm.s32 $0x0  }
0x1a: {  	s31 =	simm.s32 $0x180;
	[sflag:s6] =	ssyncset.done $0x0;
	v11 =	vand.u32 $0x78, v11;
	v10 =	vmul.u32 $0xF, v10;
	s30 =	sand.u32 $0x7, s11  }
0x1b: {  	[sflag:s6] =	ssyncadd.s32 $0xFFFFFC00;
	v11 =	vor.u32 s31, v11;
	s10 =	sadd.s32 $0x7, s30  }
0x1c: {  	s14 =	simm.s32 $0x20;
	v12 =	vadd.s32 s10, v10;
	v10 =	vor.u32 v3, v11;
	v9 =	vld.idx.msk [tilespmem:v9+s2+$0x0], $0xffff  }
0x1d: {  	s16 =	simm.s32 $0x2;
	s15 =	simm.s32 $0x3;
	s13 =	sand.u32 $0x30, s14;
	v11 =	vadd.s32 v1, v12  }
.LBB2_2:
0x1e: {  	p0 =	sne.s32 s15, $0xFF;
	v12 =	vor.u32 s13, v0;
	s10 =	sshrl.u32 s16, $0x5  }
0x1f: {  	s10 =	sadd.s32 $0x7, s10;
	v12 =	vshrl.u32 v12, $0x3  }
.Ltmp0:
0x20: {  	s17 =	sshll.u32 s11, $0x7;
	s11 =	sshrl.u32 s16, $0x2;
	v13 =	vadd.s32 s12, v2;
	v12 =	vsub.s32 s10, v12;
	(pc) =	sbr.rel @p0 .LBB2_2-.Ltmp0, $4  }
0x21: {  	s12 =	sand.u32 $0x7, s11;
	v13 =	vand.u32 $0x78, v13;
	s16 =	sadd.s32 $0x180, s17;
	s10 =	simm.s32 $0x0;
	v12 =	vmul.u32 $0xF, v12;
	[tilespmem:v10+s7+$0x0] =	vst.idx.msk $0xffff, v9  }
0x22: {  	s17 =	sadd.s32 $0x7, s12;
	s12 =	smov.u32 s13;
	v10 =	vor.u32 s16, v13;
	s16 =	smov.u32 s15;
	v9 =	vld.idx.msk [tilespmem:v11+s10+$0x0], $0xffff  }
0x23: {  	s14 =	sadd.s32 $0x10, s14;
	v10 =	vor.u32 v3, v10;
	v11 =	vadd.s32 s17, v12  }
0x24: {  	s13 =	sand.u32 $0x30, s14;
	s15 =	sadd.s32 $0x1, s15;
	v11 =	vadd.s32 v1, v11  }
0x25: {  	v12 =	vor.u32 s13, v0;
	s14 =	sshrl.u32 s16, $0x5  }
0x26: {  	s14 =	sadd.s32 $0x7, s14;
	v12 =	vshrl.u32 v12, $0x3  }
0x27: {  	s15 =	sshrl.u32 s16, $0x2;
	s11 =	sshll.u32 s11, $0x7;
	v13 =	vadd.s32 s12, v2;
	v12 =	vsub.s32 s14, v12  }
0x28: {  	s30 =	sand.u32 $0x7, s15;
	v13 =	vand.u32 $0x78, v13;
	s11 =	sadd.s32 $0x180, s11;
	v12 =	vmul.u32 $0xF, v12  }
0x29: {  	[tilespmem:v10+s7+$0x0] =	vst.idx.msk $0xffff, v9;
	s12 =	sadd.s32 $0x7, s30;
	v9 =	vor.u32 s11, v13  }
0x2a: {  	v10 =	vld.idx.msk [tilespmem:v11+s10+$0x0], $0xffff;
	v9 =	vor.u32 v3, v9;
	v11 =	vadd.s32 s12, v12  }
0x2b: {  	v11 =	vadd.s32 v1, v11;
	_ =	sdelay $0x1  }
0x2c: {  	v63 =	vadd.s32 s13, v2;
	s31 =	sshll.u32 s15, $0x7  }
0x2d: {  	s11 =	sadd.s32 $0x180, s31;
	v12 =	vand.u32 $0x78, v63  }
0x2e: {  	[tilespmem:v9+s7+$0x0] =	vst.idx.msk $0xffff, v10;
	v9 =	vor.u32 s11, v12  }
0x2f: {  	p2 =	por $0x1, $0x1;
	v9 =	vor.u32 v3, v9;
	v10 =	vld.idx.msk [tilespmem:v11+s10+$0x0], $0xffff  }
.Ltmp1:
0x30: {  	_ = 	snop;
	(pc) =	sbr.rel @!p2 .LBB2_4-.Ltmp1, $2  }
0x31: {  	_ =	sdelay $0x2  }
0x32: {  	p1 =	por $0x0, $0x0;
	p0 =	por $0x0, $0x0;
	s14 =	simm.s32 $0x0;
	[tilespmem:v9+s7+$0x0] =	vst.idx.msk $0xffff, v10  }
0x33: {  	p2 =	por $0x1, $0x1  }
.Ltmp2:
0x34: {  	s15 =	sand.u32 $0x30, s10;
	s11 =	simm.s32 $0x0;
	(pc) =	sbr.rel @!p2 .LBB2_6-.Ltmp2, $4  }
0x35: {  	s11 =	sor.u32 s15, s11  }
0x36: {  	v9 =	vadd.s32 s11, v4  }
0x37: {  	v9 =	vand.u32 $0x7FFFFFF8, v9  }
0x38: {  	s13 =	simm.s32 $0x0;
	s12 =	simm.s32 $0x10;
	p1 =	por $0x1, $0x1;
	v9 =	vor.u32 v5, v9  }
0x39: {  	_ =	sdelay $0x1  }
0x3a: {  	s14 =	sand.u32 $0x30, s12;
	s11 =	simm.s32 $0x0;
	v10 =	vadd.s32 s15, v2  }
0x3b: {  	s31 =	simm.s32 $0x0;
	p3 =	por $0x1, $0x1;
	s11 =	sor.u32 s14, s11;
	v11 =	vand.u32 $0x78, v10  }
.Ltmp3:
0x3c: {  	v10 =	vld.idx.msk [tilespmem:v9+s10+$0x0], $0xffff;
	v12 =	vadd.s32 s11, v4;
	v9 =	vor.u32 s31, v11;
	(pc) =	sbr.rel @!p3 .LBB2_8-.Ltmp3, $4  }
0x3d: {  	v12 =	vand.u32 $0x7FFFFFF8, v12;
	v11 =	vor.u32 v3, v9  }
0x3e: {  	v9 =	vor.u32 v5, v12  }
0x3f: {  	s15 =	simm.s32 $0x3  }
0x40: {  	s12 =	simm.s32 $0x20;
	p2 =	por $0x1, $0x1;
	s11 =	simm.s32 $0x0  }
.LBB2_9:
0x41: {  	p3 =	sne.s32 s15, $0xB;
	s16 =	sshll.u32 s11, $0x6;
	v12 =	vadd.s32 s14, v2;
	s14 =	sand.u32 $0x30, s12  }
0x42: {  	s17 =	sshll.u32 s13, $0x7;
	s13 =	smov.u32 s11;
	s16 =	sor.u32 s14, s16;
	v12 =	vand.u32 $0x78, v12;
	[tilespmem:v11+s7+$0x0] =	vst.idx.msk $0xffff, v10  }
.Ltmp4:
0x43: {  	v11 =	vadd.s32 s16, v4;
	v10 =	vld.idx.msk [tilespmem:v9+s10+$0x0], $0xffff;
	v9 =	vor.u32 s17, v12;
	(pc) =	sbr.rel @p3 .LBB2_9-.Ltmp4, $3  }
0x44: {  	v12 =	vand.u32 $0x7FFFFFF8, v11;
	v11 =	vor.u32 v3, v9  }
0x45: {  	v9 =	vor.u32 v5, v12;
	_ =	sdelay $0x1  }
0x46: {  	s11 =	sshrl.u32 s15, $0x2;
	s15 =	sadd.s32 $0x1, s15;
	s12 =	sadd.s32 $0x10, s12  }
0x47: {  	s15 =	smov.u32 s14;
	s14 =	smov.u32 s13  }
.LBB2_11:
0x48: {  	_ =	sdelay $0x1  }
0x49: {  	v12 =	vadd.s32 @p1 s15, v2  }
0x4a: {  	s12 =	sand.u32 $0x30, s12;
	s13 =	sshll.u32 s11, $0x6;
	s14 =	sshll.u32 @p1 s14, $0x7;
	v12 =	vand.u32 @p1 $0x78, v12  }
0x4b: {  	[tilespmem:v11+s7+$0x0] =	vst.idx.msk @p2 $0xffff, v10;
	s13 =	sor.u32 s12, s13;
	v10 =	vor.u32 @p1 s14, v12  }
0x4c: {  	v9 =	vld.idx.msk @p1 [tilespmem:v9+s10+$0x0], $0xffff;
	v11 =	vadd.s32 s13, v4;
	v10 =	vor.u32 @p1 v3, v10  }
0x4d: {  	v11 =	vand.u32 $0x7FFFFFF8, v11;
	v10 =	vpsel p1, v10, v0  }
0x4e: {  	v11 =	vor.u32 v5, v11;
	_ =	sdelay $0x1  }
0x4f: {  	v63 =	vadd.s32 s12, v2  }
0x50: {  	s31 =	sshll.u32 s11, $0x7;
	v12 =	vand.u32 $0x78, v63;
	v9 =	vpsel p1, v9, v0  }
0x51: {  	[tilespmem:v10+s7+$0x0] =	vst.idx.msk @p1 $0xffff, v9;
	v9 =	vor.u32 s31, v12  }
0x52: {  	p1 =	por $0x1, $0x1;
	v10 =	vld.idx.msk [tilespmem:v11+s10+$0x0], $0xffff;
	v9 =	vor.u32 v3, v9  }
.Ltmp5:
0x53: {  	_ = 	snop;
	(pc) =	sbr.rel @!p1 .LBB2_12-.Ltmp5, $2  }
0x54: {  	_ =	sdelay $0x2  }
0x55: {  	s11 =	simm.s32 $0x10;
	[tilespmem:v9+s7+$0x0] =	vst.idx.msk $0xffff, v10;
	v9 =	vor.u32 s10, v0  }
0x56: {  	v10 =	vmul.u32 $0x5556, v9  }
0x57: {  	p2 =	por $0x1, $0x1  }
.Ltmp6:
0x58: {  	v11 =	vshrl.u32 v10, $0x10;
	(pc) =	sbr.rel @!p2 .LBB2_14-.Ltmp6, $4  }
0x59: {  	v12 =	vmul.u32 $0xFFFFFFFD, v11  }
0x5a: {  	v10 =	vadd.s32 s10, v6  }
0x5b: {  	v10 =	vand.u32 $0x3F8, v10;
	v15 =	vshll.u32 v11, $0x7;
	v12 =	vadd.s32 v9, v12  }
0x5c: {  	p1 =	por $0x1, $0x1;
	s10 =	simm.s32 $0x20;
	v10 =	vor.u32 v5, v10;
	v9 =	vor.u32 s11, v0;
	v14 =	vand.u32 $0xFFFFFFF8, v12  }
0x5d: {  	_ =	sdelay $0x1  }
0x5e: {  	v11 =	vmul.u32 $0x5556, v9  }
0x5f: {  	v12 =	vand.u32 $0x7, v12;
	v13 =	vadd.s32 v14, v15  }
0x60: {  	v14 =	vadd.s32 s11, v6;
	p2 =	por $0x1, $0x1;
	v16 =	vshrl.u32 v11, $0x10;
	v11 =	vld.idx.msk [tilespmem:v10+s2+$0x0], $0xffff;
	v10 =	vor.u32 v12, v13  }
.Ltmp7:
0x61: {  	v12 =	vand.u32 $0x3F8, v14;
	v13 =	vadd.s32 $0x180, v10;
	(pc) =	sbr.rel @!p2 .LBB2_17-.Ltmp7, $3  }
0x62: {  	v15 =	vmul.u32 $0xFFFFFFFD, v16;
	v10 =	vor.u32 v5, v12;
	_ =	sdelay $0x1  }
0x63: {  	v12 =	vadd.s32 v9, v15  }
0x64: {  	s11 =	simm.s32 $0x30;
	p0 =	por $0x1, $0x1;
	v9 =	vor.u32 s10, v0;
	v15 =	vshll.u32 v16, $0x7;
	v14 =	vand.u32 $0xFFFFFFF8, v12  }
.LBB2_16:
0x65: {  	p2 =	sne.s32 s11, $0xB0;
	v16 =	vmul.u32 $0x5556, v9;
	v12 =	vand.u32 $0x7, v12;
	v14 =	vadd.s32 v14, v15;
	[tilespmem:v13+s7+$0x0] =	vst.idx.msk $0xffff, v11  }
0x66: {  	v13 =	vadd.s32 s10, v6;
	s10 =	smov.u32 s11;
	v11 =	vld.idx.msk [tilespmem:v10+s2+$0x0], $0xffff;
	v10 =	vor.u32 v12, v14  }
.Ltmp8:
0x67: {  	v12 =	vand.u32 $0x3F8, v13;
	v15 =	vshrl.u32 v16, $0x10;
	v13 =	vadd.s32 $0x180, v10;
	(pc) =	sbr.rel @p2 .LBB2_16-.Ltmp8, $3  }
0x68: {  	v10 =	vor.u32 v5, v12;
	v14 =	vmul.u32 $0xFFFFFFFD, v15;
	_ =	sdelay $0x1  }
0x69: {  	v12 =	vadd.s32 v9, v14  }
0x6a: {  	s11 =	sadd.s32 $0x10, s11;
	v15 =	vshll.u32 v15, $0x7;
	v9 =	vor.u32 s10, v0;
	v14 =	vand.u32 $0xFFFFFFF8, v12  }
.LBB2_17:
0x6b: {  	_ =	sdelay $0x2  }
0x6c: {  	v16 =	vmul.u32 $0x5556, v9;
	v12 =	vand.u32 @p1 $0x7, v12;
	v14 =	vadd.s32 @p1 v14, v15  }
0x6d: {  	[tilespmem:v13+s7+$0x0] =	vst.idx.msk @p0 $0xffff, v11;
	v11 =	vor.u32 @p1 v12, v14  }
0x6e: {  	v61 =	vadd.s32 s10, v6;
	v10 =	vld.idx.msk @p1 [tilespmem:v10+s2+$0x0], $0xffff;
	v62 =	vshrl.u32 v16, $0x10;
	v11 =	vadd.s32 @p1 $0x180, v11  }
0x6f: {  	v12 =	vand.u32 $0x3F8, v61;
	v63 =	vmul.u32 $0xFFFFFFFD, v62;
	v11 =	vpsel p1, v11, v0  }
0x70: {  	v12 =	vor.u32 v5, v12  }
0x71: {  	v9 =	vadd.s32 v9, v63  }
0x72: {  	v13 =	vshll.u32 v62, $0x7;
	v14 =	vand.u32 $0xFFFFFFF8, v9  }
0x73: {  	v10 =	vpsel p1, v10, v0;
	v9 =	vand.u32 $0x7, v9;
	v13 =	vadd.s32 v14, v13  }
0x74: {  	[tilespmem:v11+s7+$0x0] =	vst.idx.msk @p1 $0xffff, v10;
	v9 =	vor.u32 v9, v13  }
0x75: {  	v10 =	vld.idx.msk [tilespmem:v12+s2+$0x0], $0xffff;
	v9 =	vadd.s32 $0x180, v9;
	_ =	sdelay $0x4  }
0x76: {  	[tilespmem:v9+s7+$0x0] =	vst.idx.msk $0xffff, v10  }
0x77: {  	v9 =	vld.idx.msk [tilespmem:v7+s2+$0x0], $0x1ff;
	_ =	sdelay $0x3  }
0x78: {  	s9 =	sadd.s32 $0x1, s9  }
0x79: {  	p0 =	sne.s32 s9, s5;
	[tilespmem:v8+s7+$0x0] =	vst.idx.msk $0x1ff, v9  }
0x7a: {  	[hbm4b:s4+s2] =	stream.linear.scatter [tilespmem:s7], [sflag:$0x2], $0x2400, $0x38;
	[tilespmem:$0x2800] =	vst v63  }
.Ltmp9:
0x7b: {  	_ = 	snop;
	(pc) =	sbr.rel @p0 .LBB2_1-.Ltmp9, $4  }
.Ltmp10:
0x7c: {  	_ = 	snop;
	(pc) =	sbr.rel @!p0 .LBB2_18-.Ltmp10, $4  }
0x7d: {  	_ =	swait.ge [sflag:s8], $0x2400  }
0x7e: {  	[sflag:s8] =	ssyncset.done $0x0  }
0x7f: {  	[sflag:s8] =	ssyncadd.s32 $0xFFFFDC00  }
0x80: {  	_ = 	snop  }
.LBB2_4:
.Ltmp11:
0x81: {  	(pc) =	sbr.rel .LBB2_11-.Ltmp11, $2  }
0x82: {  	_ =	sdelay $0x2  }
0x83: {  	s12 =	simm.s32 $0x0;
	s11 =	simm.s32 $0x0;
	p2 =	por $0x0, $0x0  }
.LBB2_12:
.Ltmp12:
0x84: {  	(pc) =	sbr.rel .LBB2_17-.Ltmp12, $2  }
0x85: {  	_ =	sdelay $0x2  }
0x86: {  	p1 =	por $0x0, $0x0  }
.LBB2_6:
.Ltmp13:
0x87: {  	(pc) =	sbr.rel .LBB2_11-.Ltmp13, $2  }
0x88: {  	_ =	sdelay $0x2  }
0x89: {  	s11 =	simm.s32 $0x0;
	p2 =	por $0x0, $0x0  }
.LBB2_14:
.Ltmp14:
0x8a: {  	(pc) =	sbr.rel .LBB2_17-.Ltmp14, $2  }
0x8b: {  	_ =	sdelay $0x2  }
0x8c: {  	s10 =	simm.s32 $0x10  }
.LBB2_8:
.Ltmp15:
0x8d: {  	(pc) =	sbr.rel .LBB2_11-.Ltmp15, $2  }
0x8e: {  	_ =	sdelay $0x2  }
0x8f: {  	s15 =	smov.u32 s14;
	s14 =	simm.s32 $0x0  }
.LBB2_18:
0x90: {  	_ =	sfence.sel $0x180000  }
0x91: {  	[bflag:$0x0] =	sbarrier.arrive $0xFFFF  }
0x92: {  	p0 =	sne.s32 s0, $0x0;
	_ =	strace $0x90000047  }
0x93: {  	s0 =	sadd.s32 @!p0 $0x100000, s1;
	[bflag:$0x2] =	sbarrier.arrive $0xFFFF  }
0x94: {  	[sflag:s0] =	ssyncadd.tile.s32 @!p0 $0x1;
	_ =	shalt  }
.Lfunc_end2:
_tile_overlayer_lowered:
.L_overlay_start_2:
0x95: {  	(tag) =	ssettag $0x2  }
0x96: {  	s0 =	rddreg [dreg:$0x0];
	s2 =	stileid.u32  }
0x97: {  	s1 =	rddreg [dreg:$0x1];
	p0 =	sne.s32 s2, $0x0  }
0x98: {  	s3 =	rddreg [dreg:$0x2];
	[bflag:$0x3] =	sbarrier.arrive $0xFFFF;
	s2 =	simm.s32 @!p0 $0x1C02  }
0x99: {  	[timem:s3], [sflag:s2] =	dma.local @!p0 [hbm:s0], s1  }
0x9a: {  	s0 =	simm.s32 @!p0 $0x2  }
0x9b: {  	_ =	swait.ge @!p0 [sflag:s0], s1  }
0x9c: {  	s1 =	ssub.s32 @!p0 $0x0, s1;
	[sflag:s0] =	ssyncset.done @!p0 $0x0  }
0x9d: {  	[sflag:s0] =	ssyncadd.s32 @!p0 s1  }
0x9e: {  	[bflag:$0x3] =	sbarrier.arrive $0xFFFF  }
0x9f: {  	_ =	shalt  }

</sc_bundles>
